<compile_context>
chip_gen: v7x
topology: tpu7x:2x2x1
jax: 0.10.2.dev20260603
libtpu: 0.0.44.dev20260713+nightly
codegen_flags: <defaults>
</compile_context>

<pallas_src>
import functools
import math

import jax
import jax.numpy as jnp
from jax import lax
from jax.experimental import pallas as pl
from jax.experimental.pallas import tpu as pltpu
from jax.experimental.pallas import tpu_sc as plsc

D_MODEL = 128
LANES = 16
NUM_CORES = 2
NUM_SUBCORES = 16
NUM_WORKERS = NUM_CORES * NUM_SUBCORES

CHUNK = 256
GATHER = 128
NSPLIT = CHUNK // GATHER
SCALE = math.sqrt(float(D_MODEL))


def _sc_body(rows_per_worker, n_chunks, x_hbm, table_hbm, out_hbm,
             idx_v, rows0, rows1, gsem, osem):
    wid = lax.axis_index("s") * NUM_CORES + lax.axis_index("c")
    base = wid * rows_per_worker
    bufs = (rows0, rows1)

    pltpu.sync_copy(x_hbm.at[pl.ds(base, rows_per_worker)], idx_v)

    def start_gather(g, buf):
        for k in range(NSPLIT):
            pltpu.async_copy(
                table_hbm.at[idx_v.at[pl.ds(g * CHUNK + k * GATHER, GATHER)]],
                buf.at[pl.ds(k * GATHER, GATHER)],
                gsem)

    def wait_gather(g, buf):
        for k in range(NSPLIT):
            pltpu.make_async_copy(
                table_hbm.at[idx_v.at[pl.ds(g * CHUNK + k * GATHER, GATHER)]],
                buf.at[pl.ds(k * GATHER, GATHER)],
                gsem).wait()

    def start_scatter(g, buf):
        pltpu.async_copy(buf, out_hbm.at[pl.ds(base + g * CHUNK, CHUNK)], osem)

    def wait_scatter(buf):
        pltpu.make_async_copy(buf, out_hbm.at[pl.ds(base, CHUNK)], osem).wait()

    def scale_buf(buf):
        @pl.loop(0, CHUNK)
        def row_loop(i):
            for j in range(D_MODEL // LANES):
                sl = pl.ds(j * LANES, LANES)
                buf[i, sl] = buf[i, sl] * SCALE

    start_gather(0, rows0)

    @pl.loop(0, n_chunks, step=2)
    def chunk_loop(g):
        for sub in range(2):
            buf = bufs[sub]
            other = bufs[1 - sub]
            cur = g + sub
            wait_gather(cur, buf)

            @pl.when(cur + 1 < n_chunks)
            def _():
                @pl.when(cur >= 1)
                def _():
                    wait_scatter(other)
                start_gather(cur + 1, other)

            scale_buf(buf)
            start_scatter(cur, buf)

    wait_scatter(rows0)
    wait_scatter(rows1)


@jax.jit
def _embed(x_flat, table):
    n_rows = x_flat.shape[0]
    rows_per_worker = n_rows // NUM_WORKERS
    n_chunks = rows_per_worker // CHUNK

    mesh = plsc.VectorSubcoreMesh(core_axis_name="c", subcore_axis_name="s")
    body = functools.partial(_sc_body, rows_per_worker, n_chunks)
    return pl.kernel(
        body,
        out_type=jax.ShapeDtypeStruct((n_rows, D_MODEL), jnp.float32),
        mesh=mesh,
        scratch_types=[
            pltpu.VMEM((rows_per_worker,), jnp.int32),
            pltpu.VMEM((CHUNK, D_MODEL), jnp.float32),
            pltpu.VMEM((CHUNK, D_MODEL), jnp.float32),
            pltpu.SemaphoreType.DMA,
            pltpu.SemaphoreType.DMA,
        ],
    )(x_flat, table)


def kernel(x, table):
    b, h = x.shape
    x_flat = x.reshape(b * h).astype(jnp.int32)
    out = _embed(x_flat, table)
    return out.reshape(b, h, D_MODEL)

# --- scband reference (transcript-rebuilt; emitter-appended) ---
"""Pipeline reference for scband-embeddings-49057116455672 (READ-ONLY COPY).

The authoritative reference and input builder live on the scoring server;
editing this copy changes nothing except your own understanding.
"""

import jax, jax.numpy as jnp
import numpy as np
import math

LEN_VOCAB = 1000000
D_MODEL = 128
BATCH = 4096
HIST = 200

def setup_inputs(seed: int = 0) -> dict:
    key = jax.random.key(seed)
    k1, k2 = jax.random.split(key)
    x = jax.random.randint(k1, (BATCH, HIST), 0, LEN_VOCAB, dtype=jnp.int64 if jax.config.read('jax_enable_x64') else jnp.int32)
    table = jax.random.normal(k2, (LEN_VOCAB, D_MODEL), dtype=jnp.float32)
    return {"x": x, "table": table}

def reference(x, table):
    # Embeddings.forward: self.embedding(x) * sqrt(d_model)
    emb = jnp.take(table, x, axis=0)
    return emb * math.sqrt(D_MODEL)

if __name__ == "__main__":
    import jax
    _d = setup_inputs()
    print(jax.jit(kernel)(*tuple(_d.values())))

</pallas_src>

<mosaic_0001>
#map = affine_map<(d0, d1) -> (0)>
#map1 = affine_map<(d0, d1) -> (0, 0)>
module attributes {stable_mosaic.version = 14 : i64} {
  func.func @_sc_body(%arg0: i32, %arg1: i32, %arg2: memref<819200xi32, #tpu.memory_space<hbm>>, %arg3: memref<1000000x128xf32, #tpu.memory_space<hbm>>, %arg4: memref<819200x128xf32, #tpu.memory_space<hbm>>, %arg5: memref<25600xi32, #tpu.memory_space<vmem>>, %arg6: memref<256x128xf32, #tpu.memory_space<vmem>>, %arg7: memref<256x128xf32, #tpu.memory_space<vmem>>, %arg8: memref<!tpu.dma_semaphore, #tpu.memory_space<semaphore_mem>>, %arg9: memref<!tpu.dma_semaphore, #tpu.memory_space<semaphore_mem>>) attributes {dimension_semantics = [#tpu.dimension_semantics<core_parallel>, #tpu.dimension_semantics<subcore_parallel>], iteration_bounds = array<i64: 2, 16>, scalar_prefetch = 0 : i64, scratch_operands = 5 : i64, tpu.core_type = #tpu.core_type<sc_vector_subcore>, window_params = [{transform_indices = #map}, {transform_indices = #map1}, {transform_indices = #map1}]} {
    %mul3A = arith.constant 2 : i32
    %mul3A_0 = arith.muli %arg1, %mul3A : i32
    %add3A = arith.addi %mul3A_0, %arg0 : i32
    %mul3A_1 = arith.constant 25600 : i32
    %mul3A_2 = arith.muli %add3A, %mul3A_1 : i32
    "tpu.region"() ({
      %run_scoped3A = tpu.sem_alloc : memref<!tpu.dma_semaphore, #tpu.memory_space<semaphore_mem>>
      %dma_start3A_29 = tpu.memref_slice %arg2[%mul3A_2] : memref<819200xi32, #tpu.memory_space<hbm>> -> memref<25600xi32, #tpu.memory_space<hbm>>
      %dma_start3A_30 = tpu.memref_slice %arg2[%mul3A_2] : memref<819200xi32, #tpu.memory_space<hbm>> -> memref<25600xi32, #tpu.memory_space<hbm>>
      tpu.enqueue_dma source(%dma_start3A_30 : memref<25600xi32, #tpu.memory_space<hbm>>) target(%arg5 : memref<25600xi32, #tpu.memory_space<vmem>>) target_semaphore(%run_scoped3A : memref<!tpu.dma_semaphore, #tpu.memory_space<semaphore_mem>>)
      %dma_wait3A_31 = tpu.memref_slice %arg2[%mul3A_2] : memref<819200xi32, #tpu.memory_space<hbm>> -> memref<25600xi32, #tpu.memory_space<hbm>>
      %dma_wait3A_32 = tpu.memref_slice %arg2[%mul3A_2] : memref<819200xi32, #tpu.memory_space<hbm>> -> memref<25600xi32, #tpu.memory_space<hbm>>
      tpu.wait_dma2 semaphore(%run_scoped3A : memref<!tpu.dma_semaphore, #tpu.memory_space<semaphore_mem>>) src(%dma_wait3A_32 : memref<25600xi32, #tpu.memory_space<hbm>>) dst(%arg5 : memref<25600xi32, #tpu.memory_space<vmem>>)
      tpu.yield
    }) : () -> ()
    %dma_start3A = arith.constant 0 : i32
    %dma_start3A_3 = arith.constant 0 : i32
    %dma_start3A_4 = tpu.memref_slice %arg6[%dma_start3A, %dma_start3A_3] : memref<256x128xf32, #tpu.memory_space<vmem>> -> memref<128x128xf32, #tpu.memory_space<vmem>>
    %dma_start3A_5 = arith.constant 0 : i32
    %dma_start3A_6 = tpu.memref_slice %arg5[%dma_start3A_5] : memref<25600xi32, #tpu.memory_space<vmem>> -> memref<128xi32, #tpu.memory_space<vmem>>
    %dma_start3A_7 = arith.constant 0 : i32
    %dma_start3A_8 = arith.constant 0 : i32
    %dma_start3A_9 = tpu.memref_slice %arg3[%dma_start3A_7, %dma_start3A_8] : memref<1000000x128xf32, #tpu.memory_space<hbm>> -> memref<1000000x128xf32, #tpu.memory_space<hbm>>
    tpu.enqueue_indirect_dma source(%dma_start3A_9 : memref<1000000x128xf32, #tpu.memory_space<hbm>>) target(%dma_start3A_4 : memref<128x128xf32, #tpu.memory_space<vmem>>) offsets(%dma_start3A_6 : memref<128xi32, #tpu.memory_space<vmem>>) semaphore(%arg8 : memref<!tpu.dma_semaphore, #tpu.memory_space<semaphore_mem>>)
    %dma_start3A_10 = arith.constant 128 : i32
    %dma_start3A_11 = arith.constant 0 : i32
    %dma_start3A_12 = tpu.memref_slice %arg6[%dma_start3A_10, %dma_start3A_11] : memref<256x128xf32, #tpu.memory_space<vmem>> -> memref<128x128xf32, #tpu.memory_space<vmem>>
    %dma_start3A_13 = arith.constant 128 : i32
    %dma_start3A_14 = tpu.memref_slice %arg5[%dma_start3A_13] : memref<25600xi32, #tpu.memory_space<vmem>> -> memref<128xi32, #tpu.memory_space<vmem>>
    %dma_start3A_15 = arith.constant 0 : i32
    %dma_start3A_16 = arith.constant 0 : i32
    %dma_start3A_17 = tpu.memref_slice %arg3[%dma_start3A_15, %dma_start3A_16] : memref<1000000x128xf32, #tpu.memory_space<hbm>> -> memref<1000000x128xf32, #tpu.memory_space<hbm>>
    tpu.enqueue_indirect_dma source(%dma_start3A_17 : memref<1000000x128xf32, #tpu.memory_space<hbm>>) target(%dma_start3A_12 : memref<128x128xf32, #tpu.memory_space<vmem>>) offsets(%dma_start3A_14 : memref<128xi32, #tpu.memory_space<vmem>>) semaphore(%arg8 : memref<!tpu.dma_semaphore, #tpu.memory_space<semaphore_mem>>)
    %scan3A = arith.constant 0 : i32
    %scan3A_18 = arith.constant 50 : i32
    %scan3A_19 = arith.addi %scan3A, %scan3A_18 : i32
    %scan3A_20 = arith.constant 1 : i32
    scf.for %scan3A_29 = %scan3A to %scan3A_19 step %scan3A_20  : i32 {
      %mul3A_30 = arith.constant 2 : i32
      %mul3A_31 = arith.muli %scan3A_29, %mul3A_30 : i32
      %add3A_32 = arith.constant 0 : i32
      %add3A_33 = arith.addi %add3A_32, %mul3A_31 : i32
      %add3A_34 = arith.constant 0 : i32
      %add3A_35 = arith.addi %add3A_33, %add3A_34 : i32
      %mul3A_36 = arith.constant 256 : i32
      %mul3A_37 = arith.muli %add3A_35, %mul3A_36 : i32
      %add3A_38 = arith.constant 0 : i32
      %add3A_39 = arith.addi %mul3A_37, %add3A_38 : i32
      %dma_wait3A_40 = arith.constant 0 : i32
      %dma_wait3A_41 = arith.constant 0 : i32
      %dma_wait3A_42 = tpu.memref_slice %arg6[%dma_wait3A_40, %dma_wait3A_41] : memref<256x128xf32, #tpu.memory_space<vmem>> -> memref<128x128xf32, #tpu.memory_space<vmem>>
      %dma_wait3A_43 = tpu.memref_slice %arg5[%add3A_39] : memref<25600xi32, #tpu.memory_space<vmem>> -> memref<128xi32, #tpu.memory_space<vmem>>
      %dma_wait3A_44 = arith.constant 0 : i32
      %dma_wait3A_45 = arith.constant 0 : i32
      %dma_wait3A_46 = tpu.memref_slice %arg3[%dma_wait3A_44, %dma_wait3A_45] : memref<1000000x128xf32, #tpu.memory_space<hbm>> -> memref<1000000x128xf32, #tpu.memory_space<hbm>>
      tpu.wait_indirect_dma semaphore(%arg8 : memref<!tpu.dma_semaphore, #tpu.memory_space<semaphore_mem>>) src(%dma_wait3A_46 : memref<1000000x128xf32, #tpu.memory_space<hbm>>) dst(%dma_wait3A_42 : memref<128x128xf32, #tpu.memory_space<vmem>>)
      %mul3A_47 = arith.constant 256 : i32
      %mul3A_48 = arith.muli %add3A_35, %mul3A_47 : i32
      %add3A_49 = arith.constant 128 : i32
      %add3A_50 = arith.addi %mul3A_48, %add3A_49 : i32
      %dma_wait3A_51 = arith.constant 128 : i32
      %dma_wait3A_52 = arith.constant 0 : i32
      %dma_wait3A_53 = tpu.memref_slice %arg6[%dma_wait3A_51, %dma_wait3A_52] : memref<256x128xf32, #tpu.memory_space<vmem>> -> memref<128x128xf32, #tpu.memory_space<vmem>>
      %dma_wait3A_54 = tpu.memref_slice %arg5[%add3A_50] : memref<25600xi32, #tpu.memory_space<vmem>> -> memref<128xi32, #tpu.memory_space<vmem>>
      %dma_wait3A_55 = arith.constant 0 : i32
      %dma_wait3A_56 = arith.constant 0 : i32
      %dma_wait3A_57 = tpu.memref_slice %arg3[%dma_wait3A_55, %dma_wait3A_56] : memref<1000000x128xf32, #tpu.memory_space<hbm>> -> memref<1000000x128xf32, #tpu.memory_space<hbm>>
      tpu.wait_indirect_dma semaphore(%arg8 : memref<!tpu.dma_semaphore, #tpu.memory_space<semaphore_mem>>) src(%dma_wait3A_57 : memref<1000000x128xf32, #tpu.memory_space<hbm>>) dst(%dma_wait3A_53 : memref<128x128xf32, #tpu.memory_space<vmem>>)
      %add3A_58 = arith.constant 1 : i32
      %add3A_59 = arith.addi %add3A_35, %add3A_58 : i32
      %lt3A = arith.constant 100 : i32
      %lt3A_60 = arith.cmpi slt, %add3A_59, %lt3A : i32
      %convert_element_type3A = arith.extui %lt3A_60 : i1 to i32
      %cond3A = arith.constant 0 : i32
      %cond3A_61 = arith.cmpi ne, %convert_element_type3A, %cond3A : i32
      scf.if %cond3A_61 {
        %ge3A = arith.constant 1 : i32
        %ge3A_117 = arith.cmpi sge, %add3A_35, %ge3A : i32
        %convert_element_type3A_118 = arith.extui %ge3A_117 : i1 to i32
        %cond3A_119 = arith.constant 0 : i32
        %cond3A_120 = arith.cmpi ne, %convert_element_type3A_118, %cond3A_119 : i32
        scf.if %cond3A_120 {
          %dma_wait3A_145 = arith.constant 0 : i32
          %dma_wait3A_146 = tpu.memref_slice %arg4[%mul3A_2, %dma_wait3A_145] : memref<819200x128xf32, #tpu.memory_space<hbm>> -> memref<256x128xf32, #tpu.memory_space<hbm>>
          %dma_wait3A_147 = arith.constant 0 : i32
          %dma_wait3A_148 = tpu.memref_slice %arg4[%mul3A_2, %dma_wait3A_147] : memref<819200x128xf32, #tpu.memory_space<hbm>> -> memref<256x128xf32, #tpu.memory_space<hbm>>
          tpu.wait_dma2 semaphore(%arg9 : memref<!tpu.dma_semaphore, #tpu.memory_space<semaphore_mem>>) src(%arg7 : memref<256x128xf32, #tpu.memory_space<vmem>>) dst(%dma_wait3A_148 : memref<256x128xf32, #tpu.memory_space<hbm>>)
        } else {
        }
        %add3A_121 = arith.constant 1 : i32
        %add3A_122 = arith.addi %add3A_35, %add3A_121 : i32
        %mul3A_123 = arith.constant 256 : i32
        %mul3A_124 = arith.muli %add3A_122, %mul3A_123 : i32
        %add3A_125 = arith.constant 0 : i32
        %add3A_126 = arith.addi %mul3A_124, %add3A_125 : i32
        %dma_start3A_127 = arith.constant 0 : i32
        %dma_start3A_128 = arith.constant 0 : i32
        %dma_start3A_129 = tpu.memref_slice %arg7[%dma_start3A_127, %dma_start3A_128] : memref<256x128xf32, #tpu.memory_space<vmem>> -> memref<128x128xf32, #tpu.memory_space<vmem>>
        %dma_start3A_130 = tpu.memref_slice %arg5[%add3A_126] : memref<25600xi32, #tpu.memory_space<vmem>> -> memref<128xi32, #tpu.memory_space<vmem>>
        %dma_start3A_131 = arith.constant 0 : i32
        %dma_start3A_132 = arith.constant 0 : i32
        %dma_start3A_133 = tpu.memref_slice %arg3[%dma_start3A_131, %dma_start3A_132] : memref<1000000x128xf32, #tpu.memory_space<hbm>> -> memref<1000000x128xf32, #tpu.memory_space<hbm>>
        tpu.enqueue_indirect_dma source(%dma_start3A_133 : memref<1000000x128xf32, #tpu.memory_space<hbm>>) target(%dma_start3A_129 : memref<128x128xf32, #tpu.memory_space<vmem>>) offsets(%dma_start3A_130 : memref<128xi32, #tpu.memory_space<vmem>>) semaphore(%arg8 : memref<!tpu.dma_semaphore, #tpu.memory_space<semaphore_mem>>)
        %mul3A_134 = arith.constant 256 : i32
        %mul3A_135 = arith.muli %add3A_122, %mul3A_134 : i32
        %add3A_136 = arith.constant 128 : i32
        %add3A_137 = arith.addi %mul3A_135, %add3A_136 : i32
        %dma_start3A_138 = arith.constant 128 : i32
        %dma_start3A_139 = arith.constant 0 : i32
        %dma_start3A_140 = tpu.memref_slice %arg7[%dma_start3A_138, %dma_start3A_139] : memref<256x128xf32, #tpu.memory_space<vmem>> -> memref<128x128xf32, #tpu.memory_space<vmem>>
        %dma_start3A_141 = tpu.memref_slice %arg5[%add3A_137] : memref<25600xi32, #tpu.memory_space<vmem>> -> memref<128xi32, #tpu.memory_space<vmem>>
        %dma_start3A_142 = arith.constant 0 : i32
        %dma_start3A_143 = arith.constant 0 : i32
        %dma_start3A_144 = tpu.memref_slice %arg3[%dma_start3A_142, %dma_start3A_143] : memref<1000000x128xf32, #tpu.memory_space<hbm>> -> memref<1000000x128xf32, #tpu.memory_space<hbm>>
        tpu.enqueue_indirect_dma source(%dma_start3A_144 : memref<1000000x128xf32, #tpu.memory_space<hbm>>) target(%dma_start3A_140 : memref<128x128xf32, #tpu.memory_space<vmem>>) offsets(%dma_start3A_141 : memref<128xi32, #tpu.memory_space<vmem>>) semaphore(%arg8 : memref<!tpu.dma_semaphore, #tpu.memory_space<semaphore_mem>>)
      } else {
      }
      %scan3A_62 = arith.constant 0 : i32
      %scan3A_63 = arith.constant 256 : i32
      %scan3A_64 = arith.addi %scan3A_62, %scan3A_63 : i32
      %scan3A_65 = arith.constant 1 : i32
      scf.for %scan3A_117 = %scan3A_62 to %scan3A_64 step %scan3A_65  : i32 {
        %mul3A_118 = arith.constant 1 : i32
        %mul3A_119 = arith.muli %scan3A_117, %mul3A_118 : i32
        %add3A_120 = arith.constant 0 : i32
        %add3A_121 = arith.addi %add3A_120, %mul3A_119 : i32
        %get3A = arith.index_cast %add3A_121 : i32 to index
        %get3A_122 = arith.constant 0 : index
        %get3A_123 = tpu.vector_load %arg6[%get3A, %get3A_122] {strides = array<i32>} : memref<256x128xf32, #tpu.memory_space<vmem>>, vector<1x16xf32>,
        %get3A_124 = vector.shape_cast %get3A_123 : vector<1x16xf32> to vector<16xf32>
        %mul3A_125 = arith.constant 11.3137083 : f32
        %mul3A_126 = vector.broadcast %mul3A_125 : f32 to vector<16xf32>
        %mul3A_127 = arith.mulf %get3A_124, %mul3A_126 : vector<16xf32>
        %swap3A = arith.index_cast %add3A_121 : i32 to index
        %swap3A_128 = arith.constant 0 : index
        %swap3A_129 = tpu.vector_load %arg6[%swap3A, %swap3A_128] {strides = array<i32>} : memref<256x128xf32, #tpu.memory_space<vmem>>, vector<1x16xf32>,
        %swap3A_130 = vector.shape_cast %swap3A_129 : vector<1x16xf32> to vector<16xf32>
        %swap3A_131 = vector.shape_cast %mul3A_127 : vector<16xf32> to vector<1x16xf32>
        tpu.vector_store %arg6[%swap3A, %swap3A_128], %swap3A_131 {strides = array<i32>} : memref<256x128xf32, #tpu.memory_space<vmem>>, vector<1x16xf32>,
        %get3A_132 = arith.index_cast %add3A_121 : i32 to index
        %get3A_133 = arith.constant 16 : index
        %get3A_134 = tpu.vector_load %arg6[%get3A_132, %get3A_133] {strides = array<i32>} : memref<256x128xf32, #tpu.memory_space<vmem>>, vector<1x16xf32>,
        %get3A_135 = vector.shape_cast %get3A_134 : vector<1x16xf32> to vector<16xf32>
        %mul3A_136 = arith.constant 11.3137083 : f32
        %mul3A_137 = vector.broadcast %mul3A_136 : f32 to vector<16xf32>
        %mul3A_138 = arith.mulf %get3A_135, %mul3A_137 : vector<16xf32>
        %swap3A_139 = arith.index_cast %add3A_121 : i32 to index
        %swap3A_140 = arith.constant 16 : index
        %swap3A_141 = tpu.vector_load %arg6[%swap3A_139, %swap3A_140] {strides = array<i32>} : memref<256x128xf32, #tpu.memory_space<vmem>>, vector<1x16xf32>,
        %swap3A_142 = vector.shape_cast %swap3A_141 : vector<1x16xf32> to vector<16xf32>
        %swap3A_143 = vector.shape_cast %mul3A_138 : vector<16xf32> to vector<1x16xf32>
        tpu.vector_store %arg6[%swap3A_139, %swap3A_140], %swap3A_143 {strides = array<i32>} : memref<256x128xf32, #tpu.memory_space<vmem>>, vector<1x16xf32>,
        %get3A_144 = arith.index_cast %add3A_121 : i32 to index
        %get3A_145 = arith.constant 32 : index
        %get3A_146 = tpu.vector_load %arg6[%get3A_144, %get3A_145] {strides = array<i32>} : memref<256x128xf32, #tpu.memory_space<vmem>>, vector<1x16xf32>,
        %get3A_147 = vector.shape_cast %get3A_146 : vector<1x16xf32> to vector<16xf32>
        %mul3A_148 = arith.constant 11.3137083 : f32
        %mul3A_149 = vector.broadcast %mul3A_148 : f32 to vector<16xf32>
        %mul3A_150 = arith.mulf %get3A_147, %mul3A_149 : vector<16xf32>
        %swap3A_151 = arith.index_cast %add3A_121 : i32 to index
        %swap3A_152 = arith.constant 32 : index
        %swap3A_153 = tpu.vector_load %arg6[%swap3A_151, %swap3A_152] {strides = array<i32>} : memref<256x128xf32, #tpu.memory_space<vmem>>, vector<1x16xf32>,
        %swap3A_154 = vector.shape_cast %swap3A_153 : vector<1x16xf32> to vector<16xf32>
        %swap3A_155 = vector.shape_cast %mul3A_150 : vector<16xf32> to vector<1x16xf32>
        tpu.vector_store %arg6[%swap3A_151, %swap3A_152], %swap3A_155 {strides = array<i32>} : memref<256x128xf32, #tpu.memory_space<vmem>>, vector<1x16xf32>,
        %get3A_156 = arith.index_cast %add3A_121 : i32 to index
        %get3A_157 = arith.constant 48 : index
        %get3A_158 = tpu.vector_load %arg6[%get3A_156, %get3A_157] {strides = array<i32>} : memref<256x128xf32, #tpu.memory_space<vmem>>, vector<1x16xf32>,
        %get3A_159 = vector.shape_cast %get3A_158 : vector<1x16xf32> to vector<16xf32>
        %mul3A_160 = arith.constant 11.3137083 : f32
        %mul3A_161 = vector.broadcast %mul3A_160 : f32 to vector<16xf32>
        %mul3A_162 = arith.mulf %get3A_159, %mul3A_161 : vector<16xf32>
        %swap3A_163 = arith.index_cast %add3A_121 : i32 to index
        %swap3A_164 = arith.constant 48 : index
        %swap3A_165 = tpu.vector_load %arg6[%swap3A_163, %swap3A_164] {strides = array<i32>} : memref<256x128xf32, #tpu.memory_space<vmem>>, vector<1x16xf32>,
        %swap3A_166 = vector.shape_cast %swap3A_165 : vector<1x16xf32> to vector<16xf32>
        %swap3A_167 = vector.shape_cast %mul3A_162 : vector<16xf32> to vector<1x16xf32>
        tpu.vector_store %arg6[%swap3A_163, %swap3A_164], %swap3A_167 {strides = array<i32>} : memref<256x128xf32, #tpu.memory_space<vmem>>, vector<1x16xf32>,
        %get3A_168 = arith.index_cast %add3A_121 : i32 to index
        %get3A_169 = arith.constant 64 : index
        %get3A_170 = tpu.vector_load %arg6[%get3A_168, %get3A_169] {strides = array<i32>} : memref<256x128xf32, #tpu.memory_space<vmem>>, vector<1x16xf32>,
        %get3A_171 = vector.shape_cast %get3A_170 : vector<1x16xf32> to vector<16xf32>
        %mul3A_172 = arith.constant 11.3137083 : f32
        %mul3A_173 = vector.broadcast %mul3A_172 : f32 to vector<16xf32>
        %mul3A_174 = arith.mulf %get3A_171, %mul3A_173 : vector<16xf32>
        %swap3A_175 = arith.index_cast %add3A_121 : i32 to index
        %swap3A_176 = arith.constant 64 : index
        %swap3A_177 = tpu.vector_load %arg6[%swap3A_175, %swap3A_176] {strides = array<i32>} : memref<256x128xf32, #tpu.memory_space<vmem>>, vector<1x16xf32>,
        %swap3A_178 = vector.shape_cast %swap3A_177 : vector<1x16xf32> to vector<16xf32>
        %swap3A_179 = vector.shape_cast %mul3A_174 : vector<16xf32> to vector<1x16xf32>
        tpu.vector_store %arg6[%swap3A_175, %swap3A_176], %swap3A_179 {strides = array<i32>} : memref<256x128xf32, #tpu.memory_space<vmem>>, vector<1x16xf32>,
        %get3A_180 = arith.index_cast %add3A_121 : i32 to index
        %get3A_181 = arith.constant 80 : index
        %get3A_182 = tpu.vector_load %arg6[%get3A_180, %get3A_181] {strides = array<i32>} : memref<256x128xf32, #tpu.memory_space<vmem>>, vector<1x16xf32>,
        %get3A_183 = vector.shape_cast %get3A_182 : vector<1x16xf32> to vector<16xf32>
        %mul3A_184 = arith.constant 11.3137083 : f32
        %mul3A_185 = vector.broadcast %mul3A_184 : f32 to vector<16xf32>
        %mul3A_186 = arith.mulf %get3A_183, %mul3A_185 : vector<16xf32>
        %swap3A_187 = arith.index_cast %add3A_121 : i32 to index
        %swap3A_188 = arith.constant 80 : index
        %swap3A_189 = tpu.vector_load %arg6[%swap3A_187, %swap3A_188] {strides = array<i32>} : memref<256x128xf32, #tpu.memory_space<vmem>>, vector<1x16xf32>,
        %swap3A_190 = vector.shape_cast %swap3A_189 : vector<1x16xf32> to vector<16xf32>
        %swap3A_191 = vector.shape_cast %mul3A_186 : vector<16xf32> to vector<1x16xf32>
        tpu.vector_store %arg6[%swap3A_187, %swap3A_188], %swap3A_191 {strides = array<i32>} : memref<256x128xf32, #tpu.memory_space<vmem>>, vector<1x16xf32>,
        %get3A_192 = arith.index_cast %add3A_121 : i32 to index
        %get3A_193 = arith.constant 96 : index
        %get3A_194 = tpu.vector_load %arg6[%get3A_192, %get3A_193] {strides = array<i32>} : memref<256x128xf32, #tpu.memory_space<vmem>>, vector<1x16xf32>,
        %get3A_195 = vector.shape_cast %get3A_194 : vector<1x16xf32> to vector<16xf32>
        %mul3A_196 = arith.constant 11.3137083 : f32
        %mul3A_197 = vector.broadcast %mul3A_196 : f32 to vector<16xf32>
        %mul3A_198 = arith.mulf %get3A_195, %mul3A_197 : vector<16xf32>
        %swap3A_199 = arith.index_cast %add3A_121 : i32 to index
        %swap3A_200 = arith.constant 96 : index
        %swap3A_201 = tpu.vector_load %arg6[%swap3A_199, %swap3A_200] {strides = array<i32>} : memref<256x128xf32, #tpu.memory_space<vmem>>, vector<1x16xf32>,
        %swap3A_202 = vector.shape_cast %swap3A_201 : vector<1x16xf32> to vector<16xf32>
        %swap3A_203 = vector.shape_cast %mul3A_198 : vector<16xf32> to vector<1x16xf32>
        tpu.vector_store %arg6[%swap3A_199, %swap3A_200], %swap3A_203 {strides = array<i32>} : memref<256x128xf32, #tpu.memory_space<vmem>>, vector<1x16xf32>,
        %get3A_204 = arith.index_cast %add3A_121 : i32 to index
        %get3A_205 = arith.constant 112 : index
        %get3A_206 = tpu.vector_load %arg6[%get3A_204, %get3A_205] {strides = array<i32>} : memref<256x128xf32, #tpu.memory_space<vmem>>, vector<1x16xf32>,
        %get3A_207 = vector.shape_cast %get3A_206 : vector<1x16xf32> to vector<16xf32>
        %mul3A_208 = arith.constant 11.3137083 : f32
        %mul3A_209 = vector.broadcast %mul3A_208 : f32 to vector<16xf32>
        %mul3A_210 = arith.mulf %get3A_207, %mul3A_209 : vector<16xf32>
        %swap3A_211 = arith.index_cast %add3A_121 : i32 to index
        %swap3A_212 = arith.constant 112 : index
        %swap3A_213 = tpu.vector_load %arg6[%swap3A_211, %swap3A_212] {strides = array<i32>} : memref<256x128xf32, #tpu.memory_space<vmem>>, vector<1x16xf32>,
        %swap3A_214 = vector.shape_cast %swap3A_213 : vector<1x16xf32> to vector<16xf32>
        %swap3A_215 = vector.shape_cast %mul3A_210 : vector<16xf32> to vector<1x16xf32>
        tpu.vector_store %arg6[%swap3A_211, %swap3A_212], %swap3A_215 {strides = array<i32>} : memref<256x128xf32, #tpu.memory_space<vmem>>, vector<1x16xf32>,
      }
      %scan3A_66 = arith.constant 256 : i32
      %mul3A_67 = arith.constant 256 : i32
      %mul3A_68 = arith.muli %add3A_35, %mul3A_67 : i32
      %add3A_69 = arith.addi %mul3A_2, %mul3A_68 : i32
      %dma_start3A_70 = arith.constant 0 : i32
      %dma_start3A_71 = tpu.memref_slice %arg4[%add3A_69, %dma_start3A_70] : memref<819200x128xf32, #tpu.memory_space<hbm>> -> memref<256x128xf32, #tpu.memory_space<hbm>>
      %dma_start3A_72 = arith.constant 0 : i32
      %dma_start3A_73 = tpu.memref_slice %arg4[%add3A_69, %dma_start3A_72] : memref<819200x128xf32, #tpu.memory_space<hbm>> -> memref<256x128xf32, #tpu.memory_space<hbm>>
      tpu.enqueue_dma source(%arg6 : memref<256x128xf32, #tpu.memory_space<vmem>>) target(%dma_start3A_73 : memref<256x128xf32, #tpu.memory_space<hbm>>) target_semaphore(%arg9 : memref<!tpu.dma_semaphore, #tpu.memory_space<semaphore_mem>>)
      %add3A_74 = arith.constant 1 : i32
      %add3A_75 = arith.addi %add3A_33, %add3A_74 : i32
      %mul3A_76 = arith.constant 256 : i32
      %mul3A_77 = arith.muli %add3A_75, %mul3A_76 : i32
      %add3A_78 = arith.constant 0 : i32
      %add3A_79 = arith.addi %mul3A_77, %add3A_78 : i32
      %dma_wait3A_80 = arith.constant 0 : i32
      %dma_wait3A_81 = arith.constant 0 : i32
      %dma_wait3A_82 = tpu.memref_slice %arg7[%dma_wait3A_80, %dma_wait3A_81] : memref<256x128xf32, #tpu.memory_space<vmem>> -> memref<128x128xf32, #tpu.memory_space<vmem>>
      %dma_wait3A_83 = tpu.memref_slice %arg5[%add3A_79] : memref<25600xi32, #tpu.memory_space<vmem>> -> memref<128xi32, #tpu.memory_space<vmem>>
      %dma_wait3A_84 = arith.constant 0 : i32
      %dma_wait3A_85 = arith.constant 0 : i32
      %dma_wait3A_86 = tpu.memref_slice %arg3[%dma_wait3A_84, %dma_wait3A_85] : memref<1000000x128xf32, #tpu.memory_space<hbm>> -> memref<1000000x128xf32, #tpu.memory_space<hbm>>
      tpu.wait_indirect_dma semaphore(%arg8 : memref<!tpu.dma_semaphore, #tpu.memory_space<semaphore_mem>>) src(%dma_wait3A_86 : memref<1000000x128xf32, #tpu.memory_space<hbm>>) dst(%dma_wait3A_82 : memref<128x128xf32, #tpu.memory_space<vmem>>)
      %mul3A_87 = arith.constant 256 : i32
      %mul3A_88 = arith.muli %add3A_75, %mul3A_87 : i32
      %add3A_89 = arith.constant 128 : i32
      %add3A_90 = arith.addi %mul3A_88, %add3A_89 : i32
      %dma_wait3A_91 = arith.constant 128 : i32
      %dma_wait3A_92 = arith.constant 0 : i32
      %dma_wait3A_93 = tpu.memref_slice %arg7[%dma_wait3A_91, %dma_wait3A_92] : memref<256x128xf32, #tpu.memory_space<vmem>> -> memref<128x128xf32, #tpu.memory_space<vmem>>
      %dma_wait3A_94 = tpu.memref_slice %arg5[%add3A_90] : memref<25600xi32, #tpu.memory_space<vmem>> -> memref<128xi32, #tpu.memory_space<vmem>>
      %dma_wait3A_95 = arith.constant 0 : i32
      %dma_wait3A_96 = arith.constant 0 : i32
      %dma_wait3A_97 = tpu.memref_slice %arg3[%dma_wait3A_95, %dma_wait3A_96] : memref<1000000x128xf32, #tpu.memory_space<hbm>> -> memref<1000000x128xf32, #tpu.memory_space<hbm>>
      tpu.wait_indirect_dma semaphore(%arg8 : memref<!tpu.dma_semaphore, #tpu.memory_space<semaphore_mem>>) src(%dma_wait3A_97 : memref<1000000x128xf32, #tpu.memory_space<hbm>>) dst(%dma_wait3A_93 : memref<128x128xf32, #tpu.memory_space<vmem>>)
      %add3A_98 = arith.constant 1 : i32
      %add3A_99 = arith.addi %add3A_75, %add3A_98 : i32
      %lt3A_100 = arith.constant 100 : i32
      %lt3A_101 = arith.cmpi slt, %add3A_99, %lt3A_100 : i32
      %convert_element_type3A_102 = arith.extui %lt3A_101 : i1 to i32
      %cond3A_103 = arith.constant 0 : i32
      %cond3A_104 = arith.cmpi ne, %convert_element_type3A_102, %cond3A_103 : i32
      scf.if %cond3A_104 {
        %ge3A = arith.constant 1 : i32
        %ge3A_117 = arith.cmpi sge, %add3A_75, %ge3A : i32
        %convert_element_type3A_118 = arith.extui %ge3A_117 : i1 to i32
        %cond3A_119 = arith.constant 0 : i32
        %cond3A_120 = arith.cmpi ne, %convert_element_type3A_118, %cond3A_119 : i32
        scf.if %cond3A_120 {
          %dma_wait3A_145 = arith.constant 0 : i32
          %dma_wait3A_146 = tpu.memref_slice %arg4[%mul3A_2, %dma_wait3A_145] : memref<819200x128xf32, #tpu.memory_space<hbm>> -> memref<256x128xf32, #tpu.memory_space<hbm>>
          %dma_wait3A_147 = arith.constant 0 : i32
          %dma_wait3A_148 = tpu.memref_slice %arg4[%mul3A_2, %dma_wait3A_147] : memref<819200x128xf32, #tpu.memory_space<hbm>> -> memref<256x128xf32, #tpu.memory_space<hbm>>
          tpu.wait_dma2 semaphore(%arg9 : memref<!tpu.dma_semaphore, #tpu.memory_space<semaphore_mem>>) src(%arg6 : memref<256x128xf32, #tpu.memory_space<vmem>>) dst(%dma_wait3A_148 : memref<256x128xf32, #tpu.memory_space<hbm>>)
        } else {
        }
        %add3A_121 = arith.constant 1 : i32
        %add3A_122 = arith.addi %add3A_75, %add3A_121 : i32
        %mul3A_123 = arith.constant 256 : i32
        %mul3A_124 = arith.muli %add3A_122, %mul3A_123 : i32
        %add3A_125 = arith.constant 0 : i32
        %add3A_126 = arith.addi %mul3A_124, %add3A_125 : i32
        %dma_start3A_127 = arith.constant 0 : i32
        %dma_start3A_128 = arith.constant 0 : i32
        %dma_start3A_129 = tpu.memref_slice %arg6[%dma_start3A_127, %dma_start3A_128] : memref<256x128xf32, #tpu.memory_space<vmem>> -> memref<128x128xf32, #tpu.memory_space<vmem>>
        %dma_start3A_130 = tpu.memref_slice %arg5[%add3A_126] : memref<25600xi32, #tpu.memory_space<vmem>> -> memref<128xi32, #tpu.memory_space<vmem>>
        %dma_start3A_131 = arith.constant 0 : i32
        %dma_start3A_132 = arith.constant 0 : i32
        %dma_start3A_133 = tpu.memref_slice %arg3[%dma_start3A_131, %dma_start3A_132] : memref<1000000x128xf32, #tpu.memory_space<hbm>> -> memref<1000000x128xf32, #tpu.memory_space<hbm>>
        tpu.enqueue_indirect_dma source(%dma_start3A_133 : memref<1000000x128xf32, #tpu.memory_space<hbm>>) target(%dma_start3A_129 : memref<128x128xf32, #tpu.memory_space<vmem>>) offsets(%dma_start3A_130 : memref<128xi32, #tpu.memory_space<vmem>>) semaphore(%arg8 : memref<!tpu.dma_semaphore, #tpu.memory_space<semaphore_mem>>)
        %mul3A_134 = arith.constant 256 : i32
        %mul3A_135 = arith.muli %add3A_122, %mul3A_134 : i32
        %add3A_136 = arith.constant 128 : i32
        %add3A_137 = arith.addi %mul3A_135, %add3A_136 : i32
        %dma_start3A_138 = arith.constant 128 : i32
        %dma_start3A_139 = arith.constant 0 : i32
        %dma_start3A_140 = tpu.memref_slice %arg6[%dma_start3A_138, %dma_start3A_139] : memref<256x128xf32, #tpu.memory_space<vmem>> -> memref<128x128xf32, #tpu.memory_space<vmem>>
        %dma_start3A_141 = tpu.memref_slice %arg5[%add3A_137] : memref<25600xi32, #tpu.memory_space<vmem>> -> memref<128xi32, #tpu.memory_space<vmem>>
        %dma_start3A_142 = arith.constant 0 : i32
        %dma_start3A_143 = arith.constant 0 : i32
        %dma_start3A_144 = tpu.memref_slice %arg3[%dma_start3A_142, %dma_start3A_143] : memref<1000000x128xf32, #tpu.memory_space<hbm>> -> memref<1000000x128xf32, #tpu.memory_space<hbm>>
        tpu.enqueue_indirect_dma source(%dma_start3A_144 : memref<1000000x128xf32, #tpu.memory_space<hbm>>) target(%dma_start3A_140 : memref<128x128xf32, #tpu.memory_space<vmem>>) offsets(%dma_start3A_141 : memref<128xi32, #tpu.memory_space<vmem>>) semaphore(%arg8 : memref<!tpu.dma_semaphore, #tpu.memory_space<semaphore_mem>>)
      } else {
      }
      %scan3A_105 = arith.constant 0 : i32
      %scan3A_106 = arith.constant 256 : i32
      %scan3A_107 = arith.addi %scan3A_105, %scan3A_106 : i32
      %scan3A_108 = arith.constant 1 : i32
      scf.for %scan3A_117 = %scan3A_105 to %scan3A_107 step %scan3A_108  : i32 {
        %mul3A_118 = arith.constant 1 : i32
        %mul3A_119 = arith.muli %scan3A_117, %mul3A_118 : i32
        %add3A_120 = arith.constant 0 : i32
        %add3A_121 = arith.addi %add3A_120, %mul3A_119 : i32
        %get3A = arith.index_cast %add3A_121 : i32 to index
        %get3A_122 = arith.constant 0 : index
        %get3A_123 = tpu.vector_load %arg7[%get3A, %get3A_122] {strides = array<i32>} : memref<256x128xf32, #tpu.memory_space<vmem>>, vector<1x16xf32>,
        %get3A_124 = vector.shape_cast %get3A_123 : vector<1x16xf32> to vector<16xf32>
        %mul3A_125 = arith.constant 11.3137083 : f32
        %mul3A_126 = vector.broadcast %mul3A_125 : f32 to vector<16xf32>
        %mul3A_127 = arith.mulf %get3A_124, %mul3A_126 : vector<16xf32>
        %swap3A = arith.index_cast %add3A_121 : i32 to index
        %swap3A_128 = arith.constant 0 : index
        %swap3A_129 = tpu.vector_load %arg7[%swap3A, %swap3A_128] {strides = array<i32>} : memref<256x128xf32, #tpu.memory_space<vmem>>, vector<1x16xf32>,
        %swap3A_130 = vector.shape_cast %swap3A_129 : vector<1x16xf32> to vector<16xf32>
        %swap3A_131 = vector.shape_cast %mul3A_127 : vector<16xf32> to vector<1x16xf32>
        tpu.vector_store %arg7[%swap3A, %swap3A_128], %swap3A_131 {strides = array<i32>} : memref<256x128xf32, #tpu.memory_space<vmem>>, vector<1x16xf32>,
        %get3A_132 = arith.index_cast %add3A_121 : i32 to index
        %get3A_133 = arith.constant 16 : index
        %get3A_134 = tpu.vector_load %arg7[%get3A_132, %get3A_133] {strides = array<i32>} : memref<256x128xf32, #tpu.memory_space<vmem>>, vector<1x16xf32>,
        %get3A_135 = vector.shape_cast %get3A_134 : vector<1x16xf32> to vector<16xf32>
        %mul3A_136 = arith.constant 11.3137083 : f32
        %mul3A_137 = vector.broadcast %mul3A_136 : f32 to vector<16xf32>
        %mul3A_138 = arith.mulf %get3A_135, %mul3A_137 : vector<16xf32>
        %swap3A_139 = arith.index_cast %add3A_121 : i32 to index
        %swap3A_140 = arith.constant 16 : index
        %swap3A_141 = tpu.vector_load %arg7[%swap3A_139, %swap3A_140] {strides = array<i32>} : memref<256x128xf32, #tpu.memory_space<vmem>>, vector<1x16xf32>,
        %swap3A_142 = vector.shape_cast %swap3A_141 : vector<1x16xf32> to vector<16xf32>
        %swap3A_143 = vector.shape_cast %mul3A_138 : vector<16xf32> to vector<1x16xf32>
        tpu.vector_store %arg7[%swap3A_139, %swap3A_140], %swap3A_143 {strides = array<i32>} : memref<256x128xf32, #tpu.memory_space<vmem>>, vector<1x16xf32>,
        %get3A_144 = arith.index_cast %add3A_121 : i32 to index
        %get3A_145 = arith.constant 32 : index
        %get3A_146 = tpu.vector_load %arg7[%get3A_144, %get3A_145] {strides = array<i32>} : memref<256x128xf32, #tpu.memory_space<vmem>>, vector<1x16xf32>,
        %get3A_147 = vector.shape_cast %get3A_146 : vector<1x16xf32> to vector<16xf32>
        %mul3A_148 = arith.constant 11.3137083 : f32
        %mul3A_149 = vector.broadcast %mul3A_148 : f32 to vector<16xf32>
        %mul3A_150 = arith.mulf %get3A_147, %mul3A_149 : vector<16xf32>
        %swap3A_151 = arith.index_cast %add3A_121 : i32 to index
        %swap3A_152 = arith.constant 32 : index
        %swap3A_153 = tpu.vector_load %arg7[%swap3A_151, %swap3A_152] {strides = array<i32>} : memref<256x128xf32, #tpu.memory_space<vmem>>, vector<1x16xf32>,
        %swap3A_154 = vector.shape_cast %swap3A_153 : vector<1x16xf32> to vector<16xf32>
        %swap3A_155 = vector.shape_cast %mul3A_150 : vector<16xf32> to vector<1x16xf32>
        tpu.vector_store %arg7[%swap3A_151, %swap3A_152], %swap3A_155 {strides = array<i32>} : memref<256x128xf32, #tpu.memory_space<vmem>>, vector<1x16xf32>,
        %get3A_156 = arith.index_cast %add3A_121 : i32 to index
        %get3A_157 = arith.constant 48 : index
        %get3A_158 = tpu.vector_load %arg7[%get3A_156, %get3A_157] {strides = array<i32>} : memref<256x128xf32, #tpu.memory_space<vmem>>, vector<1x16xf32>,
        %get3A_159 = vector.shape_cast %get3A_158 : vector<1x16xf32> to vector<16xf32>
        %mul3A_160 = arith.constant 11.3137083 : f32
        %mul3A_161 = vector.broadcast %mul3A_160 : f32 to vector<16xf32>
        %mul3A_162 = arith.mulf %get3A_159, %mul3A_161 : vector<16xf32>
        %swap3A_163 = arith.index_cast %add3A_121 : i32 to index
        %swap3A_164 = arith.constant 48 : index
        %swap3A_165 = tpu.vector_load %arg7[%swap3A_163, %swap3A_164] {strides = array<i32>} : memref<256x128xf32, #tpu.memory_space<vmem>>, vector<1x16xf32>,
        %swap3A_166 = vector.shape_cast %swap3A_165 : vector<1x16xf32> to vector<16xf32>
        %swap3A_167 = vector.shape_cast %mul3A_162 : vector<16xf32> to vector<1x16xf32>
        tpu.vector_store %arg7[%swap3A_163, %swap3A_164], %swap3A_167 {strides = array<i32>} : memref<256x128xf32, #tpu.memory_space<vmem>>, vector<1x16xf32>,
        %get3A_168 = arith.index_cast %add3A_121 : i32 to index
        %get3A_169 = arith.constant 64 : index
        %get3A_170 = tpu.vector_load %arg7[%get3A_168, %get3A_169] {strides = array<i32>} : memref<256x128xf32, #tpu.memory_space<vmem>>, vector<1x16xf32>,
        %get3A_171 = vector.shape_cast %get3A_170 : vector<1x16xf32> to vector<16xf32>
        %mul3A_172 = arith.constant 11.3137083 : f32
        %mul3A_173 = vector.broadcast %mul3A_172 : f32 to vector<16xf32>
        %mul3A_174 = arith.mulf %get3A_171, %mul3A_173 : vector<16xf32>
        %swap3A_175 = arith.index_cast %add3A_121 : i32 to index
        %swap3A_176 = arith.constant 64 : index
        %swap3A_177 = tpu.vector_load %arg7[%swap3A_175, %swap3A_176] {strides = array<i32>} : memref<256x128xf32, #tpu.memory_space<vmem>>, vector<1x16xf32>,
        %swap3A_178 = vector.shape_cast %swap3A_177 : vector<1x16xf32> to vector<16xf32>
        %swap3A_179 = vector.shape_cast %mul3A_174 : vector<16xf32> to vector<1x16xf32>
        tpu.vector_store %arg7[%swap3A_175, %swap3A_176], %swap3A_179 {strides = array<i32>} : memref<256x128xf32, #tpu.memory_space<vmem>>, vector<1x16xf32>,
        %get3A_180 = arith.index_cast %add3A_121 : i32 to index
        %get3A_181 = arith.constant 80 : index
        %get3A_182 = tpu.vector_load %arg7[%get3A_180, %get3A_181] {strides = array<i32>} : memref<256x128xf32, #tpu.memory_space<vmem>>, vector<1x16xf32>,
        %get3A_183 = vector.shape_cast %get3A_182 : vector<1x16xf32> to vector<16xf32>
        %mul3A_184 = arith.constant 11.3137083 : f32
        %mul3A_185 = vector.broadcast %mul3A_184 : f32 to vector<16xf32>
        %mul3A_186 = arith.mulf %get3A_183, %mul3A_185 : vector<16xf32>
        %swap3A_187 = arith.index_cast %add3A_121 : i32 to index
        %swap3A_188 = arith.constant 80 : index
        %swap3A_189 = tpu.vector_load %arg7[%swap3A_187, %swap3A_188] {strides = array<i32>} : memref<256x128xf32, #tpu.memory_space<vmem>>, vector<1x16xf32>,
        %swap3A_190 = vector.shape_cast %swap3A_189 : vector<1x16xf32> to vector<16xf32>
        %swap3A_191 = vector.shape_cast %mul3A_186 : vector<16xf32> to vector<1x16xf32>
        tpu.vector_store %arg7[%swap3A_187, %swap3A_188], %swap3A_191 {strides = array<i32>} : memref<256x128xf32, #tpu.memory_space<vmem>>, vector<1x16xf32>,
        %get3A_192 = arith.index_cast %add3A_121 : i32 to index
        %get3A_193 = arith.constant 96 : index
        %get3A_194 = tpu.vector_load %arg7[%get3A_192, %get3A_193] {strides = array<i32>} : memref<256x128xf32, #tpu.memory_space<vmem>>, vector<1x16xf32>,
        %get3A_195 = vector.shape_cast %get3A_194 : vector<1x16xf32> to vector<16xf32>
        %mul3A_196 = arith.constant 11.3137083 : f32
        %mul3A_197 = vector.broadcast %mul3A_196 : f32 to vector<16xf32>
        %mul3A_198 = arith.mulf %get3A_195, %mul3A_197 : vector<16xf32>
        %swap3A_199 = arith.index_cast %add3A_121 : i32 to index
        %swap3A_200 = arith.constant 96 : index
        %swap3A_201 = tpu.vector_load %arg7[%swap3A_199, %swap3A_200] {strides = array<i32>} : memref<256x128xf32, #tpu.memory_space<vmem>>, vector<1x16xf32>,
        %swap3A_202 = vector.shape_cast %swap3A_201 : vector<1x16xf32> to vector<16xf32>
        %swap3A_203 = vector.shape_cast %mul3A_198 : vector<16xf32> to vector<1x16xf32>
        tpu.vector_store %arg7[%swap3A_199, %swap3A_200], %swap3A_203 {strides = array<i32>} : memref<256x128xf32, #tpu.memory_space<vmem>>, vector<1x16xf32>,
        %get3A_204 = arith.index_cast %add3A_121 : i32 to index
        %get3A_205 = arith.constant 112 : index
        %get3A_206 = tpu.vector_load %arg7[%get3A_204, %get3A_205] {strides = array<i32>} : memref<256x128xf32, #tpu.memory_space<vmem>>, vector<1x16xf32>,
        %get3A_207 = vector.shape_cast %get3A_206 : vector<1x16xf32> to vector<16xf32>
        %mul3A_208 = arith.constant 11.3137083 : f32
        %mul3A_209 = vector.broadcast %mul3A_208 : f32 to vector<16xf32>
        %mul3A_210 = arith.mulf %get3A_207, %mul3A_209 : vector<16xf32>
        %swap3A_211 = arith.index_cast %add3A_121 : i32 to index
        %swap3A_212 = arith.constant 112 : index
        %swap3A_213 = tpu.vector_load %arg7[%swap3A_211, %swap3A_212] {strides = array<i32>} : memref<256x128xf32, #tpu.memory_space<vmem>>, vector<1x16xf32>,
        %swap3A_214 = vector.shape_cast %swap3A_213 : vector<1x16xf32> to vector<16xf32>
        %swap3A_215 = vector.shape_cast %mul3A_210 : vector<16xf32> to vector<1x16xf32>
        tpu.vector_store %arg7[%swap3A_211, %swap3A_212], %swap3A_215 {strides = array<i32>} : memref<256x128xf32, #tpu.memory_space<vmem>>, vector<1x16xf32>,
      }
      %scan3A_109 = arith.constant 256 : i32
      %mul3A_110 = arith.constant 256 : i32
      %mul3A_111 = arith.muli %add3A_75, %mul3A_110 : i32
      %add3A_112 = arith.addi %mul3A_2, %mul3A_111 : i32
      %dma_start3A_113 = arith.constant 0 : i32
      %dma_start3A_114 = tpu.memref_slice %arg4[%add3A_112, %dma_start3A_113] : memref<819200x128xf32, #tpu.memory_space<hbm>> -> memref<256x128xf32, #tpu.memory_space<hbm>>
      %dma_start3A_115 = arith.constant 0 : i32
      %dma_start3A_116 = tpu.memref_slice %arg4[%add3A_112, %dma_start3A_115] : memref<819200x128xf32, #tpu.memory_space<hbm>> -> memref<256x128xf32, #tpu.memory_space<hbm>>
      tpu.enqueue_dma source(%arg7 : memref<256x128xf32, #tpu.memory_space<vmem>>) target(%dma_start3A_116 : memref<256x128xf32, #tpu.memory_space<hbm>>) target_semaphore(%arg9 : memref<!tpu.dma_semaphore, #tpu.memory_space<semaphore_mem>>)
    }
    %scan3A_21 = arith.constant 50 : i32
    %dma_wait3A = arith.constant 0 : i32
    %dma_wait3A_22 = tpu.memref_slice %arg4[%mul3A_2, %dma_wait3A] : memref<819200x128xf32, #tpu.memory_space<hbm>> -> memref<256x128xf32, #tpu.memory_space<hbm>>
    %dma_wait3A_23 = arith.constant 0 : i32
    %dma_wait3A_24 = tpu.memref_slice %arg4[%mul3A_2, %dma_wait3A_23] : memref<819200x128xf32, #tpu.memory_space<hbm>> -> memref<256x128xf32, #tpu.memory_space<hbm>>
    tpu.wait_dma2 semaphore(%arg9 : memref<!tpu.dma_semaphore, #tpu.memory_space<semaphore_mem>>) src(%arg6 : memref<256x128xf32, #tpu.memory_space<vmem>>) dst(%dma_wait3A_24 : memref<256x128xf32, #tpu.memory_space<hbm>>)
    %dma_wait3A_25 = arith.constant 0 : i32
    %dma_wait3A_26 = tpu.memref_slice %arg4[%mul3A_2, %dma_wait3A_25] : memref<819200x128xf32, #tpu.memory_space<hbm>> -> memref<256x128xf32, #tpu.memory_space<hbm>>
    %dma_wait3A_27 = arith.constant 0 : i32
    %dma_wait3A_28 = tpu.memref_slice %arg4[%mul3A_2, %dma_wait3A_27] : memref<819200x128xf32, #tpu.memory_space<hbm>> -> memref<256x128xf32, #tpu.memory_space<hbm>>
    tpu.wait_dma2 semaphore(%arg9 : memref<!tpu.dma_semaphore, #tpu.memory_space<semaphore_mem>>) src(%arg7 : memref<256x128xf32, #tpu.memory_space<vmem>>) dst(%dma_wait3A_28 : memref<256x128xf32, #tpu.memory_space<hbm>>)
    return
  }
}

</mosaic_0001>

<sc_bundles>
// kernel: _embed.3.cloned.1.call-start
scs
__scs_entry_jumppad:
0x0: {  	(pc) =	sbr.rel $0x88, $3  }
0x1: {  	(tag) =	ssettag $0x0;
	lr =	simm.s32 $0x1  }
0x2: {  	[smem:$0x3F9F] =	sst lr;
	_ =	strace $0xD0000000  }
0x3: {  	_ = 	snop  }
0x4: {  	_ = 	snop  }
0x5: {  	_ = 	snop  }
0x6: {  	_ = 	snop  }
0x7: {  	_ = 	snop  }
__scs_overlays_trampoline_lowered:
0x8: {  	[smem:$0x3FAE] =	sst s0  }
0x9: {  	[smem:$0x3FAF] =	sst s1  }
0xa: {  	[smem:$0x3FB0] =	sst s2  }
0xb: {  	[smem:$0x3FB1] =	sst s3  }
0xc: {  	[smem:$0x3FB2] =	sst s4  }
0xd: {  	[smem:$0x3FB3] =	sst s5  }
0xe: {  	[smem:$0x3FB4] =	sst s6  }
0xf: {  	[smem:$0x3FB5] =	sst s7  }
0x10: {  	[smem:$0x3FB6] =	sst s8  }
0x11: {  	[smem:$0x3FB7] =	sst s9;
	s0 =	simm.s32 @!p0 $0x0  }
0x12: {  	s1 =	sld [smem:$0x3F9D];
	s0 =	simm.s32 @p0 $0x1  }
0x13: {  	[smem:$0x3FB8] =	sst s0;
	s0 =	simm.s32 @!p1 $0x0  }
0x14: {  	s2 =	sld [smem:$0x3F9C];
	s0 =	simm.s32 @p1 $0x1  }
0x15: {  	[smem:$0x3FB9] =	sst s0;
	s0 =	simm.s32 @!p2 $0x0  }
0x16: {  	s3 =	sld [smem:$0x3FDB];
	s0 =	simm.s32 @p2 $0x1  }
0x17: {  	s4 =	simm.s32 $0x1BF5;
	[smem:$0x3FBB] =	sst s0  }
0x18: {  	s0 =	sld [smem:$0x3F9E];
	_ =	swait.ge [sflag:s4], $0x0  }
0x19: {  	s7 =	sld [smem:$0x3F9F]  }
0x1a: {  	s8 =	sadd.s32 $0xFFFFE003, lr  }
0x1b: {  	s9 =	sadd.s32 $0xFFFFFEF7, lr;
	s5 =	simm.s32 $0xFFFFFFFF;
	p2 =	slt.u32 s8, $0xFFFFF086  }
0x1c: {  	p1 =	slt.u32 s9, $0xF7A;
	s5 =	simm.s32 @!p2 $0x0  }
0x1d: {  	s5 =	simm.s32 @p1 $0x1;
	p0 =	seq.s32 s7, s2  }
0x1e: {  	s7 =	smul.u32 @!p0 $0xF7A, s2;
	p2 =	seq.s32 @!p0 s5, $0x0  }
0x1f: {  	s9 =	smul.u32 $0xF7A, s1;
	s8 =	simm.s32 @!p0 $0x1BF5;
	p2 =	por !p2, p0  }
0x20: {  	[sflag:s8] =	ssyncset.s32 @!p0 $0xFFFFF086;
	s6 =	sadd.s32 @!p0 s3, s7;
	s7 =	simm.s32 @!p0 $0x108  }
0x21: {  	s3 =	sadd.s32 s3, s9;
	s6 =	sadd.s32 @!p0 $0x88, s6;
	s7 =	simm.s32 @p2 $0x1082  }
0x22: {  	[simem:s7], [sflag:s8] =	dma.local @!p0 [hbm:s6], $0xF7A  }
0x23: {  	s9 =	sor.u32 $0xD0000000, s2;
	s6 =	simm.s32 $0x108;
	_ =	swait.ge @!p0 [sflag:s8], $0x0  }
0x24: {  	s3 =	sadd.s32 $0x88, s3;
	s6 =	simm.s32 @!p1 $0x1082;
	[sflag:s4] =	ssyncset.s32 $0xFFFFF086  }
0x25: {  	[simem:s6], [sflag:s4] =	dma.local [hbm:s3], $0xF7A  }
0x26: {  	[smem:$0x3F9F] =	sst s1;
	(tag) =	ssettag s2;
	_ =	strace s9  }
0x27: {  	s1 =	sld [smem:$0x3FAF]  }
0x28: {  	s2 =	sld [smem:$0x3FB0]  }
0x29: {  	s4 =	sld [smem:$0x3FB2]  }
0x2a: {  	p0 =	seq.s32 s5, $0x0;
	s5 =	sld [smem:$0x3FB3]  }
0x2b: {  	s6 =	sld [smem:$0x3FB4]  }
0x2c: {  	s7 =	sld [smem:$0x3FB5]  }
0x2d: {  	s3 =	simm.s32 $0x108;
	s8 =	sld [smem:$0x3FB6]  }
0x2e: {  	s3 =	simm.s32 @!p0 $0x1082;
	s9 =	sld [smem:$0x3FB7]  }
0x2f: {  	lr =	sadd.s32 s0, s3;
	s0 =	sld [smem:$0x3FAE]  }
0x30: {  	s3 =	sld [smem:$0x3FB1]  }
0x31: {  	[smem:$0x3FBA] =	sst s10  }
0x32: {  	s10 =	sld [smem:$0x3FB8];
	_ =	sdelay $0x3  }
0x33: {  	p0 =	seq.s32 s10, $0x1;
	s10 =	sld [smem:$0x3FBA];
	_ =	sdelay $0x3  }
0x34: {  	[smem:$0x3FBA] =	sst s10  }
0x35: {  	s10 =	sld [smem:$0x3FB9];
	_ =	sdelay $0x3  }
0x36: {  	p1 =	seq.s32 s10, $0x1;
	s10 =	sld [smem:$0x3FBA];
	_ =	sdelay $0x3  }
0x37: {  	[smem:$0x3FBA] =	sst s10  }
0x38: {  	s10 =	sld [smem:$0x3FBB]  }
0x39: {  	_ = 	snop;
	(pc) =	sbr.ind lr, $3  }
0x3a: {  	_ = 	snop  }
0x3b: {  	_ = 	snop  }
0x3c: {  	p2 =	seq.s32 s10, $0x1;
	s10 =	sld [smem:$0x3FBA]  }
0x3d: {  	_ =	shalt  }
0x3e: {  	_ =	shalt  }
0x3f: {  	_ =	shalt  }
0x40: {  	_ =	shalt  }
0x41: {  	_ =	shalt  }
0x42: {  	_ =	shalt  }
0x43: {  	_ =	shalt  }
0x44: {  	_ =	shalt  }
0x45: {  	_ =	shalt  }
0x46: {  	_ =	shalt  }
0x47: {  	_ =	shalt  }
0x48: {  	_ =	shalt  }
0x49: {  	_ =	shalt  }
0x4a: {  	_ =	shalt  }
0x4b: {  	_ =	shalt  }
0x4c: {  	_ =	shalt  }
0x4d: {  	_ =	shalt  }
0x4e: {  	_ =	shalt  }
0x4f: {  	_ =	shalt  }
0x50: {  	_ =	shalt  }
0x51: {  	_ =	shalt  }
0x52: {  	_ =	shalt  }
0x53: {  	_ =	shalt  }
0x54: {  	_ =	shalt  }
0x55: {  	_ =	shalt  }
0x56: {  	_ =	shalt  }
0x57: {  	_ =	shalt  }
0x58: {  	_ =	shalt  }
0x59: {  	_ =	shalt  }
0x5a: {  	_ =	shalt  }
0x5b: {  	_ =	shalt  }
0x5c: {  	_ =	shalt  }
0x5d: {  	_ =	shalt  }
0x5e: {  	_ =	shalt  }
0x5f: {  	_ =	shalt  }
0x60: {  	_ =	shalt  }
0x61: {  	_ =	shalt  }
0x62: {  	_ =	shalt  }
0x63: {  	_ =	shalt  }
0x64: {  	_ =	shalt  }
0x65: {  	_ =	shalt  }
0x66: {  	_ =	shalt  }
0x67: {  	_ =	shalt  }
0x68: {  	_ =	shalt  }
0x69: {  	_ =	shalt  }
0x6a: {  	_ =	shalt  }
0x6b: {  	_ =	shalt  }
0x6c: {  	_ =	shalt  }
0x6d: {  	_ =	shalt  }
0x6e: {  	_ =	shalt  }
0x6f: {  	_ =	shalt  }
0x70: {  	_ =	shalt  }
0x71: {  	_ =	shalt  }
0x72: {  	_ =	shalt  }
0x73: {  	_ =	shalt  }
0x74: {  	_ =	shalt  }
0x75: {  	_ =	shalt  }
0x76: {  	_ =	shalt  }
0x77: {  	_ =	shalt  }
0x78: {  	_ =	shalt  }
0x79: {  	_ =	shalt  }
0x7a: {  	_ =	shalt  }
0x7b: {  	_ =	shalt  }
0x7c: {  	_ =	shalt  }
0x7d: {  	_ =	shalt  }
0x7e: {  	_ =	shalt  }
0x7f: {  	_ =	shalt  }
0x80: {  	_ =	shalt  }
0x81: {  	_ =	shalt  }
0x82: {  	_ =	shalt  }
0x83: {  	_ =	shalt  }
0x84: {  	_ =	shalt  }
0x85: {  	_ =	shalt  }
0x86: {  	_ =	shalt  }
0x87: {  	_ =	shalt  }
.Lfunc_end0:
.L_simem_size_0:
called_computation_lowered:
.L_overlay_start_0:
0x88: {  	s2 =	sld [smem:$0x3FD9]  }
0x89: {  	s3 =	sld [smem:$0x3FFE];
	_ =	sdelay $0x1  }
0x8a: {  	s1 =	srdreg.scid  }
0x8b: {  	s0 =	sand.u32 $0x1, s1  }
0x8c: {  	s18 =	sshll.u32 s0, $0xA;
	s2 =	sadd.s32 s3, s2  }
0x8d: {  	s2 =	sadd.s32 s2, s18  }
0x8e: {  	[smem:$0x3FC6] =	sst s2  }
0x8f: {  	_ = 	snop  }
0x90: {  	s2 =	sld [smem:$0x3FC9]  }
0x91: {  	s19 =	sld [smem:$0x3FC8]  }
0x92: {  	s4 =	sld [smem:$0x3FD0];
	(tm) =	ssettm $0x1  }
0x93: {  	s5 =	sld [smem:$0x3FFB];
	_ =	sdelay $0x3  }
0x94: {  	_ =	strace s5  }
0x95: {  	s5 =	sld [smem:$0x3FFC];
	_ =	sdelay $0x3  }
0x96: {  	_ =	strace s5  }
0x97: {  	s5 =	sld [smem:$0x3FFD];
	_ =	sdelay $0x3  }
0x98: {  	_ =	strace s5  }
0x99: {  	_ =	strace $0x8FFFFFFF  }
0x9a: {  	s20 =	sld [smem:$0x3FDB];
	_ =	sdelay $0x1  }
0x9b: {  	s6 =	simm.s32 $_scs_section_size  }
0x9c: {  	s7 =	simm.s32 $_size__tile_overlayer_lowered;
	s8 =	simm.s32 $_tile_overlayer_lowered  }
0x9d: {  	s23 =	simm.s32 $0x1BFF;
	s22 =	sshll.u32 s8, $0x1;
	s5 =	sadd.s32 s6, s20  }
0x9e: {  	s9 =	simm.s32 $0x0;
	s21 =	sshll.u32 s7, $0x1;
	s7 =	sadd.s32 s22, s5  }
0x9f: {  	[timem:s9], [sflag:s23] =	dma.local [hbm:s7], s21  }
0xa0: {  	_ =	swait.ge [sflag:s23], s21  }
0xa1: {  	s6 =	ssub.s32 $0x0, s21;
	[sflag:s23] =	ssyncset.done $0x0  }
0xa2: {  	[sflag:s23] =	ssyncadd.s32 s6;
	_ =	sdelay $0x1  }
0xa3: {  	s24 =	simm.s32 $0x1B8B  }
0xa4: {  	_ =	swait.ge [sflag:s24], $0x1  }
0xa5: {  	[sflag:s24] =	ssyncset.done $0x0  }
0xa6: {  	s25 =	simm.s32 $0x1B8E;
	[sflag:s24] =	ssyncadd.s32 $0xFFFFFFFF  }
0xa7: {  	s26 =	simm.s32 $execute0_lowered;
	[smem:$0x3FD2] =	sst s25  }
0xa8: {  	s6 =	sshll.u32 s26, $0x1;
	_ =	strace $0x80000046;
	[dreg:$0x1] =	wrdreg $0xFFFFFFFF  }
0xa9: {  	s28 =	simm.s32 $_size_execute0_lowered;
	s5 =	sadd.s32 s5, s6;
	[dreg:$0x0] =	wrdreg $0x0  }
0xaa: {  	s6 =	sshll.u32 s28, $0x1;
	[dreg:$0x2] =	wrdreg s5  }
0xab: {  	[dreg:$0x3] =	wrdreg s6  }
0xac: {  	[dreg:$0x4] =	wrdreg $0xC0  }
0xad: {  	_ =	task [dreg:s9], $0x5FFFF  }
0xae: {  	[dreg:$0x1] =	wrdreg $0xFFFFFFFF  }
0xaf: {  	[dreg:$0x0] =	wrdreg $0x60  }
0xb0: {  	[dreg:$0x2] =	wrdreg s2  }
0xb1: {  	[dreg:$0x3] =	wrdreg s19  }
0xb2: {  	[dreg:$0x4] =	wrdreg s4  }
0xb3: {  	[dreg:$0x5] =	wrdreg $0x9  }
0xb4: {  	_ =	task.clear_ibuf [dreg:s9], $0x6FFFF;
	_ =	strace $0x90000046  }
0xb5: {  	s29 =	simm.s32 $0x9;
	_ =	strace $0x80000048  }
0xb6: {  	_ =	swait.ge [sflag:s29], $0x1  }
0xb7: {  	[sflag:s29] =	ssyncadd.s32 $0xFFFFFFFF  }
0xb8: {  	_ =	strace $0x90000048  }
0xb9: {  	_ =	sfence  }
0xba: {  	s30 =	sld [smem:$0x0];
	_ =	sdelay $0x2  }
0xbb: {  	s31 =	sshll.u32 s1, $0xD;
	s1 =	sshrl.u32 s1, $0x2  }
0xbc: {  	s3 =	sand.u32 $0x4000, s31;
	s1 =	sadd.s32 s1, s30  }
0xbd: {  	s0 =	sor.u32 s3, s0;
	s1 =	sshll.u32 s1, $0x11  }
0xbe: {  	s0 =	sor.u32 s1, s0  }
0xbf: {  	s0 =	sadd.s32 $0x8F2B, s0  }
0xc0: {  	[sflag:s0] =	ssyncadd.remote.s32 $0x1  }
0xc1: {  	_ =	sfence.sel $0xFFFF  }
0xc2: {  	[dreg:$0x0] =	wrdreg $0xFFFFFFFF;
	(pc) =	sbr.abs _section_cstart, $3  }
0xc3: {  	[dreg:$0x1] =	wrdreg $0xFFFFFFFF  }
0xc4: {  	_ =	task.clear_ibuf [dreg:s9], $0x2FFFF;
	_ =	strace $0x9FFFFFFF  }
0xc5: {  	(tm) =	ssettm $0x7FFFFFFF  }
tec
execute0_lowered:
.L_overlay_start_1:
0x0: {  	(tag) =	ssettag $0x1  }
0x1: {  	s5 =	rddreg [dreg:$0x0]  }
0x2: {  	s2 =	rddreg [dreg:$0x1]  }
0x3: {  	s3 =	rddreg [dreg:$0x2];
	s4 =	srdreg.scid  }
0x4: {  	s1 =	stileid.u32;
	s0 =	rddreg [dreg:$0x3];
	s10 =	simm.s32 $0x6400  }
0x5: {  	s11 =	simm.s32 $0xA400;
	s12 =	simm.s32 $0x1;
	s13 =	simm.s32 $0xE400  }
0x6: {  	s14 =	simm.s32 $0x12400;
	s15 =	simm.s32 $0x2;
	s16 =	simm.s32 $0x0  }
0x7: {  	s6 =	sand.u32 $0x1, s4;
	s7 =	sshll.u32 s1, $0x1;
	s4 =	simm.s32 $0x0  }
0x8: {  	s8 =	ssub.s32 $0x2, s6;
	s6 =	sor.u32 s6, s7;
	[smem:$0x7FF] =	sst s4  }
0x9: {  	s31 =	sshrl.u32 s8, $0x1;
	s9 =	smul.u32 $0xC80, s6;
	_ =	strace $0x80000047  }
0xa: {  	s6 =	smul.u32 $0x320000, s6;
	s7 =	ssub.s32 s8, s31;
	s8 =	simm.s32 $0x3  }
0xb: {  	s5 =	sadd.s32 s5, s9;
	s7 =	smax.u32 s7, $0x1;
	s9 =	simm.s32 $0x80  }
.LBB2_1:
0xc: {  	[tilespmem:s4], [sflag:$0x3] =	stream.linear.gather [hbm4b:s5+s4], $0x6400, $0x38;
	[tilespmem:$0x16400] =	vst v63  }
0xd: {  	_ =	swait.ge [sflag:s8], $0x6400  }
0xe: {  	[sflag:s8] =	ssyncset.done $0x0  }
0xf: {  	[sflag:s8] =	ssyncadd.s32 $0xFFFF9C00  }
0x10: {  	[tilespmem:s10], [sflag:$0x1] =	stream.indirect.gather [hbm4b:s2+s9], $0x80, s4, s9, $0xb8;
	[tilespmem:$0x16400] =	vst v63  }
0x11: {  	s17 =	simm.s32 $0x0  }
0x12: {  	[tilespmem:s11], [sflag:$0x1] =	stream.indirect.gather [hbm4b:s2+s9], $0x80, s9, s9, $0xb8;
	[tilespmem:$0x16400] =	vst v63  }
.LBB2_2:
0x13: {  	_ =	swait.ge [sflag:s12], $0x4000  }
0x14: {  	[sflag:s12] =	ssyncset.done $0x0  }
0x15: {  	[sflag:s12] =	ssyncadd.s32 $0xFFFFC000  }
0x16: {  	_ =	swait.ge [sflag:s12], $0x4000  }
0x17: {  	p0 =	seq.s32 s17, $0x0;
	[sflag:s12] =	ssyncset.done $0x0  }
0x18: {  	s19 =	simm.s32 @!p0 $0x2;
	[sflag:s12] =	ssyncadd.s32 $0xFFFFC000  }
0x19: {  	s18 =	sshllo.u32 s17, $0x1;
	_ =	swait.ge @!p0 [sflag:s19], $0x8000  }
0x1a: {  	s20 =	sshll.u32 s18, $0x8;
	[sflag:s19] =	ssyncset.done @!p0 $0x0  }
0x1b: {  	s31 =	sand.u32 $0x3FFFFF00, s20;
	[sflag:s19] =	ssyncadd.s32 @!p0 $0xFFFF8000  }
0x1c: {  	[tilespmem:s13], [sflag:$0x1] =	stream.indirect.gather [hbm4b:s2+s9], $0x80, s31, s9, $0xb8;
	[tilespmem:$0x16400] =	vst v63  }
0x1d: {  	s19 =	sor.u32 $0x80, s31  }
0x1e: {  	[tilespmem:s14], [sflag:$0x1] =	stream.indirect.gather [hbm4b:s2+s9], $0x80, s19, s9, $0xb8;
	[tilespmem:$0x16400] =	vst v63  }
0x1f: {  	s19 =	simm.s32 $0x0  }
0x20: {  	v3 =	vld [tilespmem:s19+$0x6400]  }
0x21: {  	v5 =	vld [tilespmem:s19+$0x6410]  }
0x22: {  	v4 =	vld [tilespmem:s19+$0x6420]  }
0x23: {  	v2 =	vld [tilespmem:s19+$0x6430]  }
0x24: {  	v0 =	vld [tilespmem:s19+$0x6440]  }
0x25: {  	v1 =	vld [tilespmem:s19+$0x6450];
	v6 =	vmul.f32 $1.131370830e+01, v3  }
0x26: {  	s20 =	simm.s32 $0x200;
	v5 =	vmul.f32 $1.131370830e+01, v5;
	v3 =	vld [tilespmem:s19+$0x6460]  }
.LBB2_3:
0x27: {  	s21 =	sshra.s32 s20, $0x2;
	p0 =	sne.s32 s20, $0x1FE00;
	[tilespmem:s19+$0x6400] =	vst v6;
	v4 =	vmul.f32 $1.131370830e+01, v4;
	v6 =	vld [tilespmem:s19+$0x6470]  }
0x28: {  	v7 =	vld [tilespmem:s21+$0x6400];
	[tilespmem:s19+$0x6410] =	vst v5;
	v2 =	vmul.f32 $1.131370830e+01, v2  }
0x29: {  	v5 =	vld [tilespmem:s21+$0x6410];
	[tilespmem:s19+$0x6420] =	vst v4;
	v0 =	vmul.f32 $1.131370830e+01, v0  }
.Ltmp0:
0x2a: {  	v4 =	vld [tilespmem:s21+$0x6420];
	[tilespmem:s19+$0x6430] =	vst v2;
	v1 =	vmul.f32 $1.131370830e+01, v1;
	(pc) =	sbr.rel @p0 .LBB2_3-.Ltmp0, $4  }
0x2b: {  	v2 =	vld [tilespmem:s21+$0x6430];
	[tilespmem:s19+$0x6440] =	vst v0;
	v3 =	vmul.f32 $1.131370830e+01, v3  }
0x2c: {  	v0 =	vld [tilespmem:s21+$0x6440];
	[tilespmem:s19+$0x6450] =	vst v1;
	v8 =	vmul.f32 $1.131370830e+01, v6  }
0x2d: {  	v6 =	vmul.f32 $1.131370830e+01, v7;
	v1 =	vld [tilespmem:s21+$0x6450];
	[tilespmem:s19+$0x6460] =	vst v3  }
0x2e: {  	s20 =	sadd.s32 $0x200, s20;
	v5 =	vmul.f32 $1.131370830e+01, v5;
	v3 =	vld [tilespmem:s21+$0x6460];
	[tilespmem:s19+$0x6470] =	vst v8;
	s19 =	smov.u32 s21  }
0x2f: {  	[tilespmem:s19+$0x6400] =	vst v6;
	v4 =	vmul.f32 $1.131370830e+01, v4;
	v6 =	vld [tilespmem:s19+$0x6470]  }
0x30: {  	[tilespmem:s19+$0x6410] =	vst v5;
	v2 =	vmul.f32 $1.131370830e+01, v2  }
0x31: {  	[tilespmem:s19+$0x6420] =	vst v4;
	v0 =	vmul.f32 $1.131370830e+01, v0  }
0x32: {  	[tilespmem:s19+$0x6430] =	vst v2;
	v1 =	vmul.f32 $1.131370830e+01, v1  }
0x33: {  	s20 =	sshll.u32 s17, $0x10;
	[tilespmem:s19+$0x6440] =	vst v0;
	v0 =	vmul.f32 $1.131370830e+01, v3  }
0x34: {  	s20 =	sadd.s32 s6, s20;
	[tilespmem:s19+$0x6450] =	vst v1;
	v1 =	vmul.f32 $1.131370830e+01, v6  }
0x35: {  	s20 =	sshrl.u32 s20, $0x3;
	[tilespmem:s19+$0x6460] =	vst v0  }
0x36: {  	s31 =	sadd.s32 s3, s20;
	[tilespmem:s19+$0x6470] =	vst v1  }
0x37: {  	[hbm4b:s31+s4] =	stream.linear.scatter [tilespmem:s10], [sflag:$0x2], $0x8000, $0x38;
	[tilespmem:$0x16400] =	vst v63  }
0x38: {  	_ =	swait.ge [sflag:s12], $0x4000  }
0x39: {  	[sflag:s12] =	ssyncset.done $0x0  }
0x3a: {  	[sflag:s12] =	ssyncadd.s32 $0xFFFFC000  }
0x3b: {  	_ =	swait.ge [sflag:s12], $0x4000  }
0x3c: {  	p0 =	seq.s32 s17, $0x31;
	[sflag:s12] =	ssyncset.done $0x0  }
0x3d: {  	s19 =	simm.s32 @!p0 $0x2;
	[sflag:s12] =	ssyncadd.s32 $0xFFFFC000  }
0x3e: {  	_ =	swait.ge @!p0 [sflag:s19], $0x8000  }
0x3f: {  	s20 =	sshll.u32 @!p0 s17, $0x9;
	[sflag:s19] =	ssyncset.done @!p0 $0x0  }
0x40: {  	[sflag:s19] =	ssyncadd.s32 @!p0 $0xFFFF8000;
	s19 =	sand.u32 @!p0 $0x3FFFFE00, s20  }
0x41: {  	s21 =	simm.s32 @!p0 $0x80;
	s22 =	simm.s32 @!p0 $0x6400;
	s20 =	sadd.s32 @!p0 $0x200, s19  }
0x42: {  	[tilespmem:s22], [sflag:$0x1] =	stream.indirect.gather @!p0 [hbm4b:s2+s21], $0x80, s20, s21, $0xb8;
	[tilespmem:$0x16400] =	vst v63  }
0x43: {  	s19 =	sadd.s32 @!p0 $0x280, s19;
	s20 =	simm.s32 @!p0 $0xA400  }
0x44: {  	[tilespmem:s20], [sflag:$0x1] =	stream.indirect.gather @!p0 [hbm4b:s2+s21], $0x80, s19, s21, $0xb8;
	[tilespmem:$0x16400] =	vst v63  }
0x45: {  	s19 =	simm.s32 $0x0  }
0x46: {  	v3 =	vld [tilespmem:s19+$0xE400]  }
0x47: {  	v5 =	vld [tilespmem:s19+$0xE410]  }
0x48: {  	v4 =	vld [tilespmem:s19+$0xE420]  }
0x49: {  	v2 =	vld [tilespmem:s19+$0xE430]  }
0x4a: {  	v0 =	vld [tilespmem:s19+$0xE440]  }
0x4b: {  	v1 =	vld [tilespmem:s19+$0xE450];
	v6 =	vmul.f32 $1.131370830e+01, v3  }
0x4c: {  	s20 =	simm.s32 $0x200;
	v5 =	vmul.f32 $1.131370830e+01, v5;
	v3 =	vld [tilespmem:s19+$0xE460]  }
.LBB2_5:
0x4d: {  	s21 =	sshra.s32 s20, $0x2;
	p0 =	sne.s32 s20, $0x1FE00;
	[tilespmem:s19+$0xE400] =	vst v6;
	v4 =	vmul.f32 $1.131370830e+01, v4;
	v6 =	vld [tilespmem:s19+$0xE470]  }
0x4e: {  	v7 =	vld [tilespmem:s21+$0xE400];
	[tilespmem:s19+$0xE410] =	vst v5;
	v2 =	vmul.f32 $1.131370830e+01, v2  }
0x4f: {  	v5 =	vld [tilespmem:s21+$0xE410];
	[tilespmem:s19+$0xE420] =	vst v4;
	v0 =	vmul.f32 $1.131370830e+01, v0  }
.Ltmp1:
0x50: {  	v4 =	vld [tilespmem:s21+$0xE420];
	[tilespmem:s19+$0xE430] =	vst v2;
	v1 =	vmul.f32 $1.131370830e+01, v1;
	(pc) =	sbr.rel @p0 .LBB2_5-.Ltmp1, $4  }
0x51: {  	v2 =	vld [tilespmem:s21+$0xE430];
	[tilespmem:s19+$0xE440] =	vst v0;
	v3 =	vmul.f32 $1.131370830e+01, v3  }
0x52: {  	v0 =	vld [tilespmem:s21+$0xE440];
	[tilespmem:s19+$0xE450] =	vst v1;
	v8 =	vmul.f32 $1.131370830e+01, v6  }
0x53: {  	v6 =	vmul.f32 $1.131370830e+01, v7;
	v1 =	vld [tilespmem:s21+$0xE450];
	[tilespmem:s19+$0xE460] =	vst v3  }
0x54: {  	s20 =	sadd.s32 $0x200, s20;
	v5 =	vmul.f32 $1.131370830e+01, v5;
	v3 =	vld [tilespmem:s21+$0xE460];
	[tilespmem:s19+$0xE470] =	vst v8;
	s19 =	smov.u32 s21  }
0x55: {  	[tilespmem:s19+$0xE400] =	vst v6;
	v4 =	vmul.f32 $1.131370830e+01, v4;
	v61 =	vld [tilespmem:s19+$0xE470]  }
0x56: {  	[tilespmem:s19+$0xE410] =	vst v5;
	v2 =	vmul.f32 $1.131370830e+01, v2  }
0x57: {  	s17 =	sadd.s32 $0x1, s17;
	[tilespmem:s19+$0xE420] =	vst v4;
	v0 =	vmul.f32 $1.131370830e+01, v0  }
0x58: {  	p0 =	sne.s32 s17, $0x32;
	[tilespmem:s19+$0xE430] =	vst v2;
	v1 =	vmul.f32 $1.131370830e+01, v1  }
.Ltmp2:
0x59: {  	s18 =	sshll.u32 s18, $0xF;
	[tilespmem:s19+$0xE440] =	vst v0;
	v62 =	vmul.f32 $1.131370830e+01, v3;
	(pc) =	sbr.rel @p0 .LBB2_2-.Ltmp2, $4  }
0x5a: {  	s18 =	sadd.s32 s6, s18;
	[tilespmem:s19+$0xE450] =	vst v1;
	v63 =	vmul.f32 $1.131370830e+01, v61  }
0x5b: {  	s18 =	sshrl.u32 s18, $0x3;
	[tilespmem:s19+$0xE460] =	vst v62  }
0x5c: {  	s18 =	sadd.s32 s3, s18;
	[tilespmem:s19+$0xE470] =	vst v63  }
0x5d: {  	[hbm4b:s18+s4] =	stream.linear.scatter [tilespmem:s13], [sflag:$0x2], $0x8000, $0x38;
	[tilespmem:$0x16400] =	vst v63  }
0x5e: {  	s16 =	sadd.s32 $0x1, s16  }
0x5f: {  	_ =	swait.ge [sflag:s15], $0x8000;
	p0 =	sne.s32 s16, s7  }
.Ltmp3:
0x60: {  	[sflag:s15] =	ssyncset.done $0x0;
	(pc) =	sbr.rel @p0 .LBB2_1-.Ltmp3, $4  }
0x61: {  	[sflag:s15] =	ssyncadd.s32 $0xFFFF8000  }
0x62: {  	_ =	swait.ge [sflag:s15], $0x8000  }
0x63: {  	[sflag:s15] =	ssyncset.done $0x0  }
0x64: {  	[sflag:s15] =	ssyncadd.s32 $0xFFFF8000  }
0x65: {  	_ =	sfence.sel $0x180000  }
0x66: {  	[bflag:$0x0] =	sbarrier.arrive $0xFFFF  }
0x67: {  	p0 =	sne.s32 s1, $0x0;
	_ =	strace $0x90000047  }
0x68: {  	s0 =	sadd.s32 @!p0 $0x100000, s0;
	[bflag:$0x2] =	sbarrier.arrive $0xFFFF  }
0x69: {  	[sflag:s0] =	ssyncadd.tile.s32 @!p0 $0x1;
	_ =	shalt  }
.Lfunc_end2:
_tile_overlayer_lowered:
.L_overlay_start_2:
0x6a: {  	(tag) =	ssettag $0x2  }
0x6b: {  	s0 =	rddreg [dreg:$0x0];
	s2 =	stileid.u32  }
0x6c: {  	s1 =	rddreg [dreg:$0x1];
	p0 =	sne.s32 s2, $0x0  }
0x6d: {  	s3 =	rddreg [dreg:$0x2];
	[bflag:$0x3] =	sbarrier.arrive $0xFFFF;
	s2 =	simm.s32 @!p0 $0x1C03  }
0x6e: {  	[timem:s3], [sflag:s2] =	dma.local @!p0 [hbm:s0], s1  }
0x6f: {  	s0 =	simm.s32 @!p0 $0x3  }
0x70: {  	_ =	swait.ge @!p0 [sflag:s0], s1  }
0x71: {  	s1 =	ssub.s32 @!p0 $0x0, s1;
	[sflag:s0] =	ssyncset.done @!p0 $0x0  }
0x72: {  	[sflag:s0] =	ssyncadd.s32 @!p0 s1  }
0x73: {  	[bflag:$0x3] =	sbarrier.arrive $0xFFFF  }
0x74: {  	_ =	shalt  }

</sc_bundles>
